<compile_context>
chip_gen: v7x
topology: tpu7x:2x2x1
jax: 0.10.2.dev20260603
libtpu: 0.0.44.dev20260713+nightly
codegen_flags: <defaults>
</compile_context>

<pallas_src>
import functools
import jax
import jax.numpy as jnp
from jax import lax
from jax.experimental import pallas as pl
from jax.experimental.pallas import tpu as pltpu
from jax.experimental.pallas import tpu_sc as plsc

BATCH = 16384
NUM_DST = 100
TPD = 16
NUM_TUNNELS = NUM_DST * TPD
NUM_LINKS = 32
BS = 512

_mesh = plsc.VectorSubcoreMesh(core_axis_name="c", subcore_axis_name="s")


@functools.partial(
    pl.kernel,
    mesh=_mesh,
    compiler_params=pltpu.CompilerParams(needs_layout_passes=False),
    out_type=jax.ShapeDtypeStruct((NUM_TUNNELS * NUM_LINKS,), jnp.float32),
    scratch_types=[
        pltpu.VMEM((NUM_TUNNELS * NUM_LINKS,), jnp.float32),
        pltpu.VMEM((NUM_TUNNELS,), jnp.int32),
    ],
)
def _sc_scatter_matrix(t2l_hbm, out_hbm, s_buf, t2l_b):
    wid = lax.axis_index("s") * 2 + lax.axis_index("c")

    @pl.when(wid == 0)
    def _build():
        pltpu.sync_copy(t2l_hbm, t2l_b)
        zeros = jnp.zeros((16,), jnp.float32)
        ones = jnp.ones((16,), jnp.float32)
        row_iota = lax.broadcasted_iota(jnp.int32, (16,), 0)

        def zero_body(i, _):
            for k in range(16):
                s_buf[pl.ds(i * 256 + k * 16, 16)] = zeros
            return 0

        lax.fori_loop(0, NUM_TUNNELS * NUM_LINKS // 256, zero_body, 0,
                      unroll=False)

        def scat_body(c, _):
            lnk = t2l_b[pl.ds(c * TPD, TPD)]
            addr = jnp.broadcast_to(c * TPD * NUM_LINKS, (16,)) \
                + row_iota * NUM_LINKS + lnk
            plsc.store_scatter(s_buf, [addr], ones)
            return 0

        lax.fori_loop(0, NUM_DST, scat_body, 0, unroll=False)
        pltpu.sync_copy(s_buf, out_hbm)

def _tc_body(s_in_ref, caps_ref, pred_ref, dem_ref, cur_ref, out_ref, r_ref):
    i = pl.program_id(0)
    n = pl.num_programs(0)

    @pl.when(i == 0)
    def _init():
        iota_d = jax.lax.broadcasted_iota(jnp.int32, (NUM_DST, NUM_TUNNELS), 0)
        iota_t = jax.lax.broadcasted_iota(jnp.int32, (NUM_DST, NUM_TUNNELS), 1)
        r_ref[...] = (iota_t // TPD == iota_d).astype(jnp.float32)
        out_ref[...] = jnp.zeros_like(out_ref)

    dem = dem_ref[...]
    pred = pred_ref[...]
    cur = cur_ref[...]

    tunnel_demand = jnp.dot(dem, r_ref[...], preferred_element_type=jnp.float32)
    traffic = tunnel_demand * pred
    link_traffic = jnp.dot(traffic, s_in_ref[...], preferred_element_type=jnp.float32)
    util = link_traffic / (caps_ref[...] + 1e-8)

    s1 = jnp.sum(util, axis=1, keepdims=True)
    s2 = jnp.sum(util * util, axis=1, keepdims=True)
    var_row = (s2 - s1 * s1 / NUM_LINKS) / (NUM_LINKS - 1)
    cong_row = jnp.sum(util * cur, axis=1, keepdims=True)
    max_row = jnp.max(util, axis=1, keepdims=True)

    lane = jax.lax.broadcasted_iota(jnp.int32, (BS, 128), 1)
    packed = (jnp.where(lane == 0, var_row, 0.0)
              + jnp.where(lane == 1, cong_row, 0.0)
              + jnp.where(lane == 2, max_row, 0.0))
    out_ref[...] += jnp.sum(packed, axis=0, keepdims=True)

    @pl.when(i == n - 1)
    def _final():
        acc = out_ref[...]
        lane1 = jax.lax.broadcasted_iota(jnp.int32, (1, 128), 1)
        var_tot = jnp.sum(jnp.where(lane1 == 0, acc, 0.0), axis=1, keepdims=True)
        cong_tot = jnp.sum(jnp.where(lane1 == 1, acc, 0.0), axis=1, keepdims=True)
        max_tot = jnp.sum(jnp.where(lane1 == 2, acc, 0.0), axis=1, keepdims=True)
        loss = (0.3 * var_tot + 0.5 * cong_tot + 0.2 * max_tot) / BATCH
        out_ref[...] = acc + jnp.where(lane1 == 3, loss, 0.0)




@jax.jit
def kernel(pred_ratios, demands, current_link_utils, tunnel_to_link, link_capacities):
    s_mat = _sc_scatter_matrix(tunnel_to_link).reshape(NUM_TUNNELS, NUM_LINKS)
    caps = link_capacities.reshape(1, NUM_LINKS)
    grid = BATCH // BS
    out = pl.pallas_call(
        _tc_body,
        grid=(grid,),
        in_specs=[
            pl.BlockSpec((NUM_TUNNELS, NUM_LINKS), lambda i: (0, 0)),
            pl.BlockSpec((1, NUM_LINKS), lambda i: (0, 0)),
            pl.BlockSpec((BS, NUM_TUNNELS), lambda i: (i, 0)),
            pl.BlockSpec((BS, NUM_DST), lambda i: (i, 0)),
            pl.BlockSpec((BS, NUM_LINKS), lambda i: (i, 0)),
        ],
        out_specs=pl.BlockSpec((1, 128), lambda i: (0, 0)),
        out_shape=jax.ShapeDtypeStruct((1, 128), jnp.float32),
        scratch_shapes=[
            pltpu.VMEM((NUM_DST, NUM_TUNNELS), jnp.float32),
        ],
    )(s_mat, caps, pred_ratios, demands, current_link_utils)
    return out[0, 3]

# --- scband reference (transcript-rebuilt; emitter-appended) ---
"""Pipeline reference for scband-link-util-aware-loss-5549097747152 (READ-ONLY COPY).

The authoritative reference and input builder live on the scoring server;
editing this copy changes nothing except your own understanding.
"""

import jax, jax.numpy as jnp
import numpy as np

BATCH = 16384
NUM_DST = 100
TUNNELS_PER_DST = 16
NUM_TUNNELS = NUM_DST * TUNNELS_PER_DST
NUM_LINKS = 32


def setup_inputs(seed: int = 0) -> dict:
    key = jax.random.key(seed)
    k1, k2, k3, k4, k5 = jax.random.split(key, 5)
    pred_ratios = jax.random.uniform(k1, (BATCH, NUM_TUNNELS), dtype=jnp.float32)
    demands = jax.random.uniform(k2, (BATCH, NUM_DST), dtype=jnp.float32)
    current_link_utils = jax.random.uniform(k3, (BATCH, NUM_LINKS), dtype=jnp.float32)
    # Buffers that the torch module builds from topology files (synthesized here):
    tunnel_to_link = jax.random.randint(k4, (NUM_TUNNELS,), 0, NUM_LINKS, dtype=jnp.int32)
    link_capacities = jax.random.uniform(k5, (NUM_LINKS,), dtype=jnp.float32) * 99.0 + 1.0
    return {
        "pred_ratios": pred_ratios,
        "demands": demands,
        "current_link_utils": current_link_utils,
        "tunnel_to_link": tunnel_to_link,
        "link_capacities": link_capacities,
    }


def reference(pred_ratios, demands, current_link_utils, tunnel_to_link, link_capacities):
    B, T = pred_ratios.shape
    D = demands.shape[1]
    tunnels_per_dst = T // D  # uniform group_sizes
    num_links = link_capacities.shape[0]
    # Broadcast each destination's demand over its tunnel group, then scale by ratios
    tunnel_demand = jnp.repeat(demands, tunnels_per_dst, axis=1)  # [B, T]
    tunnel_traffic = tunnel_demand * pred_ratios  # [B, T]
    # Scatter-add tunnel traffic onto the first-hop link of each tunnel
    node_link_traffic = jnp.zeros((B, num_links), dtype=pred_ratios.dtype).at[:, tunnel_to_link].add(tunnel_traffic)
    node_link_util = node_link_traffic / (link_capacities[None, :] + 1e-8)
    # torch.var uses unbiased estimator (ddof=1)
    variance_loss = jnp.var(node_link_util, axis=1, ddof=1).mean()
    congestion_penalty = (node_link_util * current_link_utils).sum(axis=1).mean()
    max_util_loss = jnp.max(node_link_util, axis=1).mean()
    loss = 0.3 * variance_loss + 0.5 * congestion_penalty + 0.2 * max_util_loss
    return loss

if __name__ == "__main__":
    import jax
    _d = setup_inputs()
    print(jax.jit(kernel)(*tuple(_d.values())))

</pallas_src>

<mosaic_0001>
#map = affine_map<(d0, d1) -> (0)>
module attributes {stable_mosaic.version = 14 : i64} {
  func.func @_sc_scatter_matrix(%arg0: i32, %arg1: i32, %arg2: memref<1600xi32, #tpu.memory_space<hbm>>, %arg3: memref<51200xf32, #tpu.memory_space<hbm>>, %arg4: memref<51200xf32, #tpu.memory_space<vmem>>, %arg5: memref<1600xi32, #tpu.memory_space<vmem>>) attributes {dimension_semantics = [#tpu.dimension_semantics<core_parallel>, #tpu.dimension_semantics<subcore_parallel>], iteration_bounds = array<i64: 2, 16>, scalar_prefetch = 0 : i64, scratch_operands = 2 : i64, tpu.core_type = #tpu.core_type<sc_vector_subcore>, window_params = [{transform_indices = #map}, {transform_indices = #map}]} {
    %mul3A = arith.constant 2 : i32
    %mul3A_0 = arith.muli %arg1, %mul3A : i32
    %add3A = arith.addi %mul3A_0, %arg0 : i32
    %eq3A = arith.constant 0 : i32
    %eq3A_1 = arith.cmpi eq, %add3A, %eq3A : i32
    %convert_element_type3A = arith.extui %eq3A_1 : i1 to i32
    %cond3A = arith.constant 0 : i32
    %cond3A_2 = arith.cmpi ne, %convert_element_type3A, %cond3A : i32
    scf.if %cond3A_2 {
      "tpu.region"() ({
        %run_scoped3A = tpu.sem_alloc : memref<!tpu.dma_semaphore, #tpu.memory_space<semaphore_mem>>
        tpu.enqueue_dma source(%arg2 : memref<1600xi32, #tpu.memory_space<hbm>>) target(%arg5 : memref<1600xi32, #tpu.memory_space<vmem>>) target_semaphore(%run_scoped3A : memref<!tpu.dma_semaphore, #tpu.memory_space<semaphore_mem>>)
        tpu.wait_dma2 semaphore(%run_scoped3A : memref<!tpu.dma_semaphore, #tpu.memory_space<semaphore_mem>>) src(%arg2 : memref<1600xi32, #tpu.memory_space<hbm>>) dst(%arg5 : memref<1600xi32, #tpu.memory_space<vmem>>)
        tpu.yield
      }) : () -> ()
      %broadcast_in_dim3A = arith.constant 0.000000e+00 : f32
      %broadcast_in_dim3A_3 = vector.broadcast %broadcast_in_dim3A : f32 to vector<16xf32>
      %broadcast_in_dim3A_4 = arith.constant 1.000000e+00 : f32
      %broadcast_in_dim3A_5 = vector.broadcast %broadcast_in_dim3A_4 : f32 to vector<16xf32>
      %iota3A = tpu.iota {dimensions = array<i32: 0>} : vector<16xi32>
      %scan3A = arith.constant 0 : i32
      %scan3A_6 = arith.constant 0 : i32
      %scan3A_7 = arith.constant 200 : i32
      %scan3A_8 = arith.addi %scan3A_6, %scan3A_7 : i32
      %scan3A_9 = arith.constant 1 : i32
      %scan3A_10 = scf.for %scan3A_19 = %scan3A_6 to %scan3A_8 step %scan3A_9 iter_args(%scan3A_20 = %scan3A) -> (i32)  : i32 {
        %mul3A_21 = arith.constant 256 : i32
        %mul3A_22 = arith.muli %scan3A_19, %mul3A_21 : i32
        %add3A_23 = arith.constant 0 : i32
        %add3A_24 = arith.addi %mul3A_22, %add3A_23 : i32
        %swap3A = arith.index_cast %add3A_24 : i32 to index
        %swap3A_25 = tpu.vector_load %arg4[%swap3A] {strides = array<i32>} : memref<51200xf32, #tpu.memory_space<vmem>>, vector<16xf32>,
        tpu.vector_store %arg4[%swap3A], %broadcast_in_dim3A_3 {strides = array<i32>} : memref<51200xf32, #tpu.memory_space<vmem>>, vector<16xf32>,
        %mul3A_26 = arith.constant 256 : i32
        %mul3A_27 = arith.muli %scan3A_19, %mul3A_26 : i32
        %add3A_28 = arith.constant 16 : i32
        %add3A_29 = arith.addi %mul3A_27, %add3A_28 : i32
        %swap3A_30 = arith.index_cast %add3A_29 : i32 to index
        %swap3A_31 = tpu.vector_load %arg4[%swap3A_30] {strides = array<i32>} : memref<51200xf32, #tpu.memory_space<vmem>>, vector<16xf32>,
        tpu.vector_store %arg4[%swap3A_30], %broadcast_in_dim3A_3 {strides = array<i32>} : memref<51200xf32, #tpu.memory_space<vmem>>, vector<16xf32>,
        %mul3A_32 = arith.constant 256 : i32
        %mul3A_33 = arith.muli %scan3A_19, %mul3A_32 : i32
        %add3A_34 = arith.constant 32 : i32
        %add3A_35 = arith.addi %mul3A_33, %add3A_34 : i32
        %swap3A_36 = arith.index_cast %add3A_35 : i32 to index
        %swap3A_37 = tpu.vector_load %arg4[%swap3A_36] {strides = array<i32>} : memref<51200xf32, #tpu.memory_space<vmem>>, vector<16xf32>,
        tpu.vector_store %arg4[%swap3A_36], %broadcast_in_dim3A_3 {strides = array<i32>} : memref<51200xf32, #tpu.memory_space<vmem>>, vector<16xf32>,
        %mul3A_38 = arith.constant 256 : i32
        %mul3A_39 = arith.muli %scan3A_19, %mul3A_38 : i32
        %add3A_40 = arith.constant 48 : i32
        %add3A_41 = arith.addi %mul3A_39, %add3A_40 : i32
        %swap3A_42 = arith.index_cast %add3A_41 : i32 to index
        %swap3A_43 = tpu.vector_load %arg4[%swap3A_42] {strides = array<i32>} : memref<51200xf32, #tpu.memory_space<vmem>>, vector<16xf32>,
        tpu.vector_store %arg4[%swap3A_42], %broadcast_in_dim3A_3 {strides = array<i32>} : memref<51200xf32, #tpu.memory_space<vmem>>, vector<16xf32>,
        %mul3A_44 = arith.constant 256 : i32
        %mul3A_45 = arith.muli %scan3A_19, %mul3A_44 : i32
        %add3A_46 = arith.constant 64 : i32
        %add3A_47 = arith.addi %mul3A_45, %add3A_46 : i32
        %swap3A_48 = arith.index_cast %add3A_47 : i32 to index
        %swap3A_49 = tpu.vector_load %arg4[%swap3A_48] {strides = array<i32>} : memref<51200xf32, #tpu.memory_space<vmem>>, vector<16xf32>,
        tpu.vector_store %arg4[%swap3A_48], %broadcast_in_dim3A_3 {strides = array<i32>} : memref<51200xf32, #tpu.memory_space<vmem>>, vector<16xf32>,
        %mul3A_50 = arith.constant 256 : i32
        %mul3A_51 = arith.muli %scan3A_19, %mul3A_50 : i32
        %add3A_52 = arith.constant 80 : i32
        %add3A_53 = arith.addi %mul3A_51, %add3A_52 : i32
        %swap3A_54 = arith.index_cast %add3A_53 : i32 to index
        %swap3A_55 = tpu.vector_load %arg4[%swap3A_54] {strides = array<i32>} : memref<51200xf32, #tpu.memory_space<vmem>>, vector<16xf32>,
        tpu.vector_store %arg4[%swap3A_54], %broadcast_in_dim3A_3 {strides = array<i32>} : memref<51200xf32, #tpu.memory_space<vmem>>, vector<16xf32>,
        %mul3A_56 = arith.constant 256 : i32
        %mul3A_57 = arith.muli %scan3A_19, %mul3A_56 : i32
        %add3A_58 = arith.constant 96 : i32
        %add3A_59 = arith.addi %mul3A_57, %add3A_58 : i32
        %swap3A_60 = arith.index_cast %add3A_59 : i32 to index
        %swap3A_61 = tpu.vector_load %arg4[%swap3A_60] {strides = array<i32>} : memref<51200xf32, #tpu.memory_space<vmem>>, vector<16xf32>,
        tpu.vector_store %arg4[%swap3A_60], %broadcast_in_dim3A_3 {strides = array<i32>} : memref<51200xf32, #tpu.memory_space<vmem>>, vector<16xf32>,
        %mul3A_62 = arith.constant 256 : i32
        %mul3A_63 = arith.muli %scan3A_19, %mul3A_62 : i32
        %add3A_64 = arith.constant 112 : i32
        %add3A_65 = arith.addi %mul3A_63, %add3A_64 : i32
        %swap3A_66 = arith.index_cast %add3A_65 : i32 to index
        %swap3A_67 = tpu.vector_load %arg4[%swap3A_66] {strides = array<i32>} : memref<51200xf32, #tpu.memory_space<vmem>>, vector<16xf32>,
        tpu.vector_store %arg4[%swap3A_66], %broadcast_in_dim3A_3 {strides = array<i32>} : memref<51200xf32, #tpu.memory_space<vmem>>, vector<16xf32>,
        %mul3A_68 = arith.constant 256 : i32
        %mul3A_69 = arith.muli %scan3A_19, %mul3A_68 : i32
        %add3A_70 = arith.constant 128 : i32
        %add3A_71 = arith.addi %mul3A_69, %add3A_70 : i32
        %swap3A_72 = arith.index_cast %add3A_71 : i32 to index
        %swap3A_73 = tpu.vector_load %arg4[%swap3A_72] {strides = array<i32>} : memref<51200xf32, #tpu.memory_space<vmem>>, vector<16xf32>,
        tpu.vector_store %arg4[%swap3A_72], %broadcast_in_dim3A_3 {strides = array<i32>} : memref<51200xf32, #tpu.memory_space<vmem>>, vector<16xf32>,
        %mul3A_74 = arith.constant 256 : i32
        %mul3A_75 = arith.muli %scan3A_19, %mul3A_74 : i32
        %add3A_76 = arith.constant 144 : i32
        %add3A_77 = arith.addi %mul3A_75, %add3A_76 : i32
        %swap3A_78 = arith.index_cast %add3A_77 : i32 to index
        %swap3A_79 = tpu.vector_load %arg4[%swap3A_78] {strides = array<i32>} : memref<51200xf32, #tpu.memory_space<vmem>>, vector<16xf32>,
        tpu.vector_store %arg4[%swap3A_78], %broadcast_in_dim3A_3 {strides = array<i32>} : memref<51200xf32, #tpu.memory_space<vmem>>, vector<16xf32>,
        %mul3A_80 = arith.constant 256 : i32
        %mul3A_81 = arith.muli %scan3A_19, %mul3A_80 : i32
        %add3A_82 = arith.constant 160 : i32
        %add3A_83 = arith.addi %mul3A_81, %add3A_82 : i32
        %swap3A_84 = arith.index_cast %add3A_83 : i32 to index
        %swap3A_85 = tpu.vector_load %arg4[%swap3A_84] {strides = array<i32>} : memref<51200xf32, #tpu.memory_space<vmem>>, vector<16xf32>,
        tpu.vector_store %arg4[%swap3A_84], %broadcast_in_dim3A_3 {strides = array<i32>} : memref<51200xf32, #tpu.memory_space<vmem>>, vector<16xf32>,
        %mul3A_86 = arith.constant 256 : i32
        %mul3A_87 = arith.muli %scan3A_19, %mul3A_86 : i32
        %add3A_88 = arith.constant 176 : i32
        %add3A_89 = arith.addi %mul3A_87, %add3A_88 : i32
        %swap3A_90 = arith.index_cast %add3A_89 : i32 to index
        %swap3A_91 = tpu.vector_load %arg4[%swap3A_90] {strides = array<i32>} : memref<51200xf32, #tpu.memory_space<vmem>>, vector<16xf32>,
        tpu.vector_store %arg4[%swap3A_90], %broadcast_in_dim3A_3 {strides = array<i32>} : memref<51200xf32, #tpu.memory_space<vmem>>, vector<16xf32>,
        %mul3A_92 = arith.constant 256 : i32
        %mul3A_93 = arith.muli %scan3A_19, %mul3A_92 : i32
        %add3A_94 = arith.constant 192 : i32
        %add3A_95 = arith.addi %mul3A_93, %add3A_94 : i32
        %swap3A_96 = arith.index_cast %add3A_95 : i32 to index
        %swap3A_97 = tpu.vector_load %arg4[%swap3A_96] {strides = array<i32>} : memref<51200xf32, #tpu.memory_space<vmem>>, vector<16xf32>,
        tpu.vector_store %arg4[%swap3A_96], %broadcast_in_dim3A_3 {strides = array<i32>} : memref<51200xf32, #tpu.memory_space<vmem>>, vector<16xf32>,
        %mul3A_98 = arith.constant 256 : i32
        %mul3A_99 = arith.muli %scan3A_19, %mul3A_98 : i32
        %add3A_100 = arith.constant 208 : i32
        %add3A_101 = arith.addi %mul3A_99, %add3A_100 : i32
        %swap3A_102 = arith.index_cast %add3A_101 : i32 to index
        %swap3A_103 = tpu.vector_load %arg4[%swap3A_102] {strides = array<i32>} : memref<51200xf32, #tpu.memory_space<vmem>>, vector<16xf32>,
        tpu.vector_store %arg4[%swap3A_102], %broadcast_in_dim3A_3 {strides = array<i32>} : memref<51200xf32, #tpu.memory_space<vmem>>, vector<16xf32>,
        %mul3A_104 = arith.constant 256 : i32
        %mul3A_105 = arith.muli %scan3A_19, %mul3A_104 : i32
        %add3A_106 = arith.constant 224 : i32
        %add3A_107 = arith.addi %mul3A_105, %add3A_106 : i32
        %swap3A_108 = arith.index_cast %add3A_107 : i32 to index
        %swap3A_109 = tpu.vector_load %arg4[%swap3A_108] {strides = array<i32>} : memref<51200xf32, #tpu.memory_space<vmem>>, vector<16xf32>,
        tpu.vector_store %arg4[%swap3A_108], %broadcast_in_dim3A_3 {strides = array<i32>} : memref<51200xf32, #tpu.memory_space<vmem>>, vector<16xf32>,
        %mul3A_110 = arith.constant 256 : i32
        %mul3A_111 = arith.muli %scan3A_19, %mul3A_110 : i32
        %add3A_112 = arith.constant 240 : i32
        %add3A_113 = arith.addi %mul3A_111, %add3A_112 : i32
        %swap3A_114 = arith.index_cast %add3A_113 : i32 to index
        %swap3A_115 = tpu.vector_load %arg4[%swap3A_114] {strides = array<i32>} : memref<51200xf32, #tpu.memory_space<vmem>>, vector<16xf32>,
        tpu.vector_store %arg4[%swap3A_114], %broadcast_in_dim3A_3 {strides = array<i32>} : memref<51200xf32, #tpu.memory_space<vmem>>, vector<16xf32>,
        %scan3A_116 = arith.constant 0 : i32
        scf.yield %scan3A_116 : i32
      }
      %scan3A_11 = arith.constant 200 : i32
      %scan3A_12 = arith.constant 0 : i32
      %scan3A_13 = arith.constant 0 : i32
      %scan3A_14 = arith.constant 100 : i32
      %scan3A_15 = arith.addi %scan3A_13, %scan3A_14 : i32
      %scan3A_16 = arith.constant 1 : i32
      %scan3A_17 = scf.for %scan3A_19 = %scan3A_13 to %scan3A_15 step %scan3A_16 iter_args(%scan3A_20 = %scan3A_12) -> (i32)  : i32 {
        %mul3A_21 = arith.constant 16 : i32
        %mul3A_22 = arith.muli %scan3A_19, %mul3A_21 : i32
        %get3A = arith.index_cast %mul3A_22 : i32 to index
        %get3A_23 = tpu.vector_load %arg5[%get3A] {strides = array<i32>} : memref<1600xi32, #tpu.memory_space<vmem>>, vector<16xi32>,
        %mul3A_24 = arith.constant 16 : i32
        %mul3A_25 = arith.muli %scan3A_19, %mul3A_24 : i32
        %mul3A_26 = arith.constant 32 : i32
        %mul3A_27 = arith.muli %mul3A_25, %mul3A_26 : i32
        %broadcast_in_dim3A_28 = vector.broadcast %mul3A_27 : i32 to vector<16xi32>
        %mul3A_29 = arith.constant 32 : i32
        %mul3A_30 = vector.broadcast %mul3A_29 : i32 to vector<16xi32>
        %mul3A_31 = arith.muli %iota3A, %mul3A_30 : vector<16xi32>
        %add3A_32 = arith.addi %broadcast_in_dim3A_28, %mul3A_31 : vector<16xi32>
        %add3A_33 = arith.addi %add3A_32, %get3A_23 : vector<16xi32>
        tpu.vector_store_idx %arg4[%add3A_33], %broadcast_in_dim3A_5 : memref<51200xf32, #tpu.memory_space<vmem>>[vector<16xi32>], vector<16xf32>,
        %scan3A_34 = arith.constant 0 : i32
        scf.yield %scan3A_34 : i32
      }
      %scan3A_18 = arith.constant 100 : i32
      "tpu.region"() ({
        %run_scoped3A = tpu.sem_alloc : memref<!tpu.dma_semaphore, #tpu.memory_space<semaphore_mem>>
        tpu.enqueue_dma source(%arg4 : memref<51200xf32, #tpu.memory_space<vmem>>) target(%arg3 : memref<51200xf32, #tpu.memory_space<hbm>>) target_semaphore(%run_scoped3A : memref<!tpu.dma_semaphore, #tpu.memory_space<semaphore_mem>>)
        tpu.wait_dma2 semaphore(%run_scoped3A : memref<!tpu.dma_semaphore, #tpu.memory_space<semaphore_mem>>) src(%arg4 : memref<51200xf32, #tpu.memory_space<vmem>>) dst(%arg3 : memref<51200xf32, #tpu.memory_space<hbm>>)
        tpu.yield
      }) : () -> ()
    } else {
    }
    return
  }
}

module attributes {stable_mosaic.version = 14 : i64} {
  func.func @_tc_body(%arg0: i32, %arg1: memref<1600x32xf32, #tpu.memory_space<vmem>>, %arg2: memref<1x32xf32, #tpu.memory_space<vmem>>, %arg3: memref<512x1600xf32, #tpu.memory_space<vmem>>, %arg4: memref<512x100xf32, #tpu.memory_space<vmem>>, %arg5: memref<512x32xf32, #tpu.memory_space<vmem>>, %arg6: memref<1x128xf32, #tpu.memory_space<vmem>>, %arg7: memref<100x1600xf32, #tpu.memory_space<vmem>>) attributes {dimension_semantics = [#tpu.dimension_semantics<arbitrary>], iteration_bounds = array<i64: 32>, scalar_prefetch = 0 : i64, scratch_operands = 1 : i64, tpu.core_type = #tpu.core_type<tc>, window_params = [{pipeline_mode = #tpu.pipeline_mode<synchronous>, transform_indices = @transform_0, window_bounds = array<i64: 1600, 32>}, {pipeline_mode = #tpu.pipeline_mode<synchronous>, transform_indices = @transform_1, window_bounds = array<i64: 1, 32>}, {transform_indices = @transform_2, window_bounds = array<i64: 512, 1600>}, {transform_indices = @transform_3, window_bounds = array<i64: 512, 100>}, {transform_indices = @transform_4, window_bounds = array<i64: 512, 32>}, {pipeline_mode = #tpu.pipeline_mode<synchronous>, transform_indices = @transform_5, window_bounds = array<i64: 1, 128>}]} {
    %eq3A = arith.constant 0 : i32
    %eq3A_0 = arith.cmpi eq, %arg0, %eq3A : i32
    %convert_element_type3A = arith.extui %eq3A_0 : i1 to i32
    %cond3A = arith.constant 0 : i32
    %cond3A_1 = arith.cmpi ne, %convert_element_type3A, %cond3A : i32
    scf.if %cond3A_1 {
      %iota3A_81 = tpu.iota {dimensions = array<i32: 0>} : vector<100x1600xi32>
      %iota3A_82 = tpu.iota {dimensions = array<i32: 1>} : vector<100x1600xi32>
      %jit3A_83 = arith.constant 16 : i32
      %div3A_84 = vector.broadcast %jit3A_83 : i32 to vector<100x1600xi32>
      %div3A_85 = arith.divsi %iota3A_82, %div3A_84 : vector<100x1600xi32>
      %sign3A = arith.constant 0 : i32
      %sign3A_86 = vector.broadcast %sign3A : i32 to vector<100x1600xi32>
      %sign3A_87 = arith.cmpi sgt, %iota3A_82, %sign3A_86 : vector<100x1600xi32>
      %sign3A_88 = arith.extui %sign3A_87 : vector<100x1600xi1> to vector<100x1600xi32>
      %sign3A_89 = arith.constant 0 : i32
      %sign3A_90 = vector.broadcast %sign3A_89 : i32 to vector<100x1600xi32>
      %sign3A_91 = arith.cmpi slt, %iota3A_82, %sign3A_90 : vector<100x1600xi32>
      %sign3A_92 = arith.extui %sign3A_91 : vector<100x1600xi1> to vector<100x1600xi32>
      %sign3A_93 = arith.subi %sign3A_88, %sign3A_92 : vector<100x1600xi32>
      %sign3A_94 = arith.constant 0 : i32
      %sign3A_95 = arith.cmpi sgt, %jit3A_83, %sign3A_94 : i32
      %sign3A_96 = arith.extui %sign3A_95 : i1 to i32
      %sign3A_97 = arith.constant 0 : i32
      %sign3A_98 = arith.cmpi slt, %jit3A_83, %sign3A_97 : i32
      %sign3A_99 = arith.extui %sign3A_98 : i1 to i32
      %sign3A_100 = arith.subi %sign3A_96, %sign3A_99 : i32
      %ne3A = vector.broadcast %sign3A_100 : i32 to vector<100x1600xi32>
      %ne3A_101 = arith.cmpi ne, %sign3A_93, %ne3A : vector<100x1600xi32>
      %rem3A = vector.broadcast %jit3A_83 : i32 to vector<100x1600xi32>
      %rem3A_102 = arith.remsi %iota3A_82, %rem3A : vector<100x1600xi32>
      %ne3A_103 = arith.constant 0 : i32
      %ne3A_104 = vector.broadcast %ne3A_103 : i32 to vector<100x1600xi32>
      %ne3A_105 = arith.cmpi ne, %rem3A_102, %ne3A_104 : vector<100x1600xi32>
      %and3A = arith.andi %ne3A_101, %ne3A_105 : vector<100x1600xi1>
      %sub3A_106 = arith.constant 1 : i32
      %sub3A_107 = vector.broadcast %sub3A_106 : i32 to vector<100x1600xi32>
      %sub3A_108 = arith.subi %div3A_85, %sub3A_107 : vector<100x1600xi32>
      %select_n3A_109 = arith.select %and3A, %sub3A_108, %div3A_85 : vector<100x1600xi1>, vector<100x1600xi32>
      %eq3A_110 = arith.cmpi eq, %select_n3A_109, %iota3A_81 : vector<100x1600xi32>
      %convert_element_type3A_111 = arith.extui %eq3A_110 : vector<100x1600xi1> to vector<100x1600xi32>
      %convert_element_type3A_112 = arith.sitofp %convert_element_type3A_111 : vector<100x1600xi32> to vector<100x1600xf32>
      %swap3A_113 = arith.constant 0 : index
      %swap3A_114 = arith.constant 0 : index
      %swap3A_115 = vector.load %arg7[%swap3A_113, %swap3A_114] : memref<100x1600xf32, #tpu.memory_space<vmem>>, vector<100x1600xf32>
      tpu.vector_store %arg7[%swap3A_113, %swap3A_114], %convert_element_type3A_112 {strides = array<i32>} : memref<100x1600xf32, #tpu.memory_space<vmem>>, vector<100x1600xf32>,
      %broadcast_in_dim3A_116 = arith.constant 0.000000e+00 : f32
      %broadcast_in_dim3A_117 = vector.broadcast %broadcast_in_dim3A_116 : f32 to vector<1x128xf32>
      %swap3A_118 = arith.constant 0 : index
      %swap3A_119 = arith.constant 0 : index
      %swap3A_120 = vector.load %arg6[%swap3A_118, %swap3A_119] : memref<1x128xf32, #tpu.memory_space<vmem>>, vector<1x128xf32>
      tpu.vector_store %arg6[%swap3A_118, %swap3A_119], %broadcast_in_dim3A_117 {strides = array<i32>} : memref<1x128xf32, #tpu.memory_space<vmem>>, vector<1x128xf32>,
    } else {
    }
    %get3A = arith.constant 0 : index
    %get3A_2 = arith.constant 0 : index
    %get3A_3 = vector.load %arg4[%get3A, %get3A_2] : memref<512x100xf32, #tpu.memory_space<vmem>>, vector<512x100xf32>
    %get3A_4 = arith.constant 0 : index
    %get3A_5 = arith.constant 0 : index
    %get3A_6 = vector.load %arg3[%get3A_4, %get3A_5] : memref<512x1600xf32, #tpu.memory_space<vmem>>, vector<512x1600xf32>
    %get3A_7 = arith.constant 0 : index
    %get3A_8 = arith.constant 0 : index
    %get3A_9 = vector.load %arg5[%get3A_7, %get3A_8] : memref<512x32xf32, #tpu.memory_space<vmem>>, vector<512x32xf32>
    %get3A_10 = arith.constant 0 : index
    %get3A_11 = arith.constant 0 : index
    %get3A_12 = vector.load %arg7[%get3A_10, %get3A_11] : memref<100x1600xf32, #tpu.memory_space<vmem>>, vector<100x1600xf32>
    %dot_general3A = arith.constant dense<0.000000e+00> : vector<512x1600xf32>
    %dot_general3A_13 = tpu.matmul %get3A_3, %get3A_12, %dot_general3A {dimension_numbers = #tpu.dot_dimension_numbers<[1], [0], [0], [1], [0, 0, 1, 1], [], []>, transpose_lhs_hint = false} : vector<512x100xf32>, vector<100x1600xf32>, vector<512x1600xf32> -> vector<512x1600xf32>
    %mul3A = arith.mulf %dot_general3A_13, %get3A_6 : vector<512x1600xf32>
    %get3A_14 = arith.constant 0 : index
    %get3A_15 = arith.constant 0 : index
    %get3A_16 = vector.load %arg1[%get3A_14, %get3A_15] : memref<1600x32xf32, #tpu.memory_space<vmem>>, vector<1600x32xf32>
    %dot_general3A_17 = arith.constant dense<0.000000e+00> : vector<512x32xf32>
    %dot_general3A_18 = tpu.matmul %mul3A, %get3A_16, %dot_general3A_17 {dimension_numbers = #tpu.dot_dimension_numbers<[1], [0], [0], [1], [0, 0, 1, 1], [], []>, transpose_lhs_hint = false} : vector<512x1600xf32>, vector<1600x32xf32>, vector<512x32xf32> -> vector<512x32xf32>
    %get3A_19 = arith.constant 0 : index
    %get3A_20 = arith.constant 0 : index
    %get3A_21 = vector.load %arg2[%get3A_19, %get3A_20] : memref<1x32xf32, #tpu.memory_space<vmem>>, vector<1x32xf32>
    %add3A = arith.constant 9.99999993E-9 : f32
    %add3A_22 = vector.broadcast %add3A : f32 to vector<1x32xf32>
    %add3A_23 = arith.addf %get3A_21, %add3A_22 : vector<1x32xf32>
    %div3A = vector.broadcast %add3A_23 : vector<1x32xf32> to vector<512x32xf32>
    %div3A_24 = arith.divf %dot_general3A_18, %div3A : vector<512x32xf32>
    %reduce_sum3A = arith.constant dense<0.000000e+00> : vector<512xf32>
    %reduce_sum3A_25 = vector.multi_reduction <add>, %div3A_24, %reduce_sum3A [1] : vector<512x32xf32> to vector<512xf32>
    %broadcast_in_dim3A = vector.shape_cast %reduce_sum3A_25 : vector<512xf32> to vector<512x1xf32>
    %mul3A_26 = arith.mulf %div3A_24, %div3A_24 : vector<512x32xf32>
    %reduce_sum3A_27 = arith.constant dense<0.000000e+00> : vector<512xf32>
    %reduce_sum3A_28 = vector.multi_reduction <add>, %mul3A_26, %reduce_sum3A_27 [1] : vector<512x32xf32> to vector<512xf32>
    %broadcast_in_dim3A_29 = vector.shape_cast %reduce_sum3A_28 : vector<512xf32> to vector<512x1xf32>
    %mul3A_30 = arith.mulf %broadcast_in_dim3A, %broadcast_in_dim3A : vector<512x1xf32>
    %div3A_31 = arith.constant 3.200000e+01 : f32
    %div3A_32 = vector.broadcast %div3A_31 : f32 to vector<512x1xf32>
    %div3A_33 = arith.divf %mul3A_30, %div3A_32 : vector<512x1xf32>
    %sub3A = arith.subf %broadcast_in_dim3A_29, %div3A_33 : vector<512x1xf32>
    %div3A_34 = arith.constant 3.100000e+01 : f32
    %div3A_35 = vector.broadcast %div3A_34 : f32 to vector<512x1xf32>
    %div3A_36 = arith.divf %sub3A, %div3A_35 : vector<512x1xf32>
    %mul3A_37 = arith.mulf %div3A_24, %get3A_9 : vector<512x32xf32>
    %reduce_sum3A_38 = arith.constant dense<0.000000e+00> : vector<512xf32>
    %reduce_sum3A_39 = vector.multi_reduction <add>, %mul3A_37, %reduce_sum3A_38 [1] : vector<512x32xf32> to vector<512xf32>
    %broadcast_in_dim3A_40 = vector.shape_cast %reduce_sum3A_39 : vector<512xf32> to vector<512x1xf32>
    %reduce_max3A = arith.constant dense<0xFF800000> : vector<512xf32>
    %reduce_max3A_41 = vector.multi_reduction <maximumf>, %div3A_24, %reduce_max3A [1] : vector<512x32xf32> to vector<512xf32>
    %broadcast_in_dim3A_42 = vector.shape_cast %reduce_max3A_41 : vector<512xf32> to vector<512x1xf32>
    %iota3A = tpu.iota {dimensions = array<i32: 1>} : vector<512x128xi32>
    %eq3A_43 = arith.constant 0 : i32
    %eq3A_44 = vector.broadcast %eq3A_43 : i32 to vector<512x128xi32>
    %eq3A_45 = arith.cmpi eq, %iota3A, %eq3A_44 : vector<512x128xi32>
    %jit3A = arith.constant 0.000000e+00 : f32
    %broadcast_in_dim3A_46 = vector.shape_cast %div3A_36 : vector<512x1xf32> to vector<512x1xf32>
    %broadcast_in_dim3A_47 = vector.broadcast %broadcast_in_dim3A_46 : vector<512x1xf32> to vector<512x128xf32>
    %broadcast_in_dim3A_48 = vector.broadcast %jit3A : f32 to vector<512x128xf32>
    %select_n3A = arith.select %eq3A_45, %broadcast_in_dim3A_47, %broadcast_in_dim3A_48 : vector<512x128xi1>, vector<512x128xf32>
    %eq3A_49 = arith.constant 1 : i32
    %eq3A_50 = vector.broadcast %eq3A_49 : i32 to vector<512x128xi32>
    %eq3A_51 = arith.cmpi eq, %iota3A, %eq3A_50 : vector<512x128xi32>
    %jit3A_52 = arith.constant 0.000000e+00 : f32
    %broadcast_in_dim3A_53 = vector.shape_cast %broadcast_in_dim3A_40 : vector<512x1xf32> to vector<512x1xf32>
    %broadcast_in_dim3A_54 = vector.broadcast %broadcast_in_dim3A_53 : vector<512x1xf32> to vector<512x128xf32>
    %broadcast_in_dim3A_55 = vector.broadcast %jit3A_52 : f32 to vector<512x128xf32>
    %select_n3A_56 = arith.select %eq3A_51, %broadcast_in_dim3A_54, %broadcast_in_dim3A_55 : vector<512x128xi1>, vector<512x128xf32>
    %add3A_57 = arith.addf %select_n3A, %select_n3A_56 : vector<512x128xf32>
    %eq3A_58 = arith.constant 2 : i32
    %eq3A_59 = vector.broadcast %eq3A_58 : i32 to vector<512x128xi32>
    %eq3A_60 = arith.cmpi eq, %iota3A, %eq3A_59 : vector<512x128xi32>
    %jit3A_61 = arith.constant 0.000000e+00 : f32
    %broadcast_in_dim3A_62 = vector.shape_cast %broadcast_in_dim3A_42 : vector<512x1xf32> to vector<512x1xf32>
    %broadcast_in_dim3A_63 = vector.broadcast %broadcast_in_dim3A_62 : vector<512x1xf32> to vector<512x128xf32>
    %broadcast_in_dim3A_64 = vector.broadcast %jit3A_61 : f32 to vector<512x128xf32>
    %select_n3A_65 = arith.select %eq3A_60, %broadcast_in_dim3A_63, %broadcast_in_dim3A_64 : vector<512x128xi1>, vector<512x128xf32>
    %add3A_66 = arith.addf %add3A_57, %select_n3A_65 : vector<512x128xf32>
    %get3A_67 = arith.constant 0 : index
    %get3A_68 = arith.constant 0 : index
    %get3A_69 = vector.load %arg6[%get3A_67, %get3A_68] : memref<1x128xf32, #tpu.memory_space<vmem>>, vector<1x128xf32>
    %reduce_sum3A_70 = arith.constant dense<0.000000e+00> : vector<128xf32>
    %reduce_sum3A_71 = vector.multi_reduction <add>, %add3A_66, %reduce_sum3A_70 [0] : vector<512x128xf32> to vector<128xf32>
    %broadcast_in_dim3A_72 = vector.shape_cast %reduce_sum3A_71 : vector<128xf32> to vector<1x128xf32>
    %add3A_73 = arith.addf %get3A_69, %broadcast_in_dim3A_72 : vector<1x128xf32>
    %swap3A = arith.constant 0 : index
    %swap3A_74 = arith.constant 0 : index
    %swap3A_75 = vector.load %arg6[%swap3A, %swap3A_74] : memref<1x128xf32, #tpu.memory_space<vmem>>, vector<1x128xf32>
    tpu.vector_store %arg6[%swap3A, %swap3A_74], %add3A_73 {strides = array<i32>} : memref<1x128xf32, #tpu.memory_space<vmem>>, vector<1x128xf32>,
    %eq3A_76 = arith.constant 31 : i32
    %eq3A_77 = arith.cmpi eq, %arg0, %eq3A_76 : i32
    %convert_element_type3A_78 = arith.extui %eq3A_77 : i1 to i32
    %cond3A_79 = arith.constant 0 : i32
    %cond3A_80 = arith.cmpi ne, %convert_element_type3A_78, %cond3A_79 : i32
    scf.if %cond3A_80 {
      %get3A_81 = arith.constant 0 : index
      %get3A_82 = arith.constant 0 : index
      %get3A_83 = vector.load %arg6[%get3A_81, %get3A_82] : memref<1x128xf32, #tpu.memory_space<vmem>>, vector<1x128xf32>
      %iota3A_84 = tpu.iota {dimensions = array<i32: 1>} : vector<1x128xi32>
      %eq3A_85 = arith.constant 0 : i32
      %eq3A_86 = vector.broadcast %eq3A_85 : i32 to vector<1x128xi32>
      %eq3A_87 = arith.cmpi eq, %iota3A_84, %eq3A_86 : vector<1x128xi32>
      %jit3A_88 = arith.constant 0.000000e+00 : f32
      %broadcast_in_dim3A_89 = vector.broadcast %jit3A_88 : f32 to vector<1x128xf32>
      %select_n3A_90 = arith.select %eq3A_87, %get3A_83, %broadcast_in_dim3A_89 : vector<1x128xi1>, vector<1x128xf32>
      %reduce_sum3A_91 = arith.constant dense<0.000000e+00> : vector<1xf32>
      %reduce_sum3A_92 = vector.multi_reduction <add>, %select_n3A_90, %reduce_sum3A_91 [1] : vector<1x128xf32> to vector<1xf32>
      %broadcast_in_dim3A_93 = vector.shape_cast %reduce_sum3A_92 : vector<1xf32> to vector<1x1xf32>
      %eq3A_94 = arith.constant 1 : i32
      %eq3A_95 = vector.broadcast %eq3A_94 : i32 to vector<1x128xi32>
      %eq3A_96 = arith.cmpi eq, %iota3A_84, %eq3A_95 : vector<1x128xi32>
      %jit3A_97 = arith.constant 0.000000e+00 : f32
      %broadcast_in_dim3A_98 = vector.broadcast %jit3A_97 : f32 to vector<1x128xf32>
      %select_n3A_99 = arith.select %eq3A_96, %get3A_83, %broadcast_in_dim3A_98 : vector<1x128xi1>, vector<1x128xf32>
      %reduce_sum3A_100 = arith.constant dense<0.000000e+00> : vector<1xf32>
      %reduce_sum3A_101 = vector.multi_reduction <add>, %select_n3A_99, %reduce_sum3A_100 [1] : vector<1x128xf32> to vector<1xf32>
      %broadcast_in_dim3A_102 = vector.shape_cast %reduce_sum3A_101 : vector<1xf32> to vector<1x1xf32>
      %eq3A_103 = arith.constant 2 : i32
      %eq3A_104 = vector.broadcast %eq3A_103 : i32 to vector<1x128xi32>
      %eq3A_105 = arith.cmpi eq, %iota3A_84, %eq3A_104 : vector<1x128xi32>
      %jit3A_106 = arith.constant 0.000000e+00 : f32
      %broadcast_in_dim3A_107 = vector.broadcast %jit3A_106 : f32 to vector<1x128xf32>
      %select_n3A_108 = arith.select %eq3A_105, %get3A_83, %broadcast_in_dim3A_107 : vector<1x128xi1>, vector<1x128xf32>
      %reduce_sum3A_109 = arith.constant dense<0.000000e+00> : vector<1xf32>
      %reduce_sum3A_110 = vector.multi_reduction <add>, %select_n3A_108, %reduce_sum3A_109 [1] : vector<1x128xf32> to vector<1xf32>
      %broadcast_in_dim3A_111 = vector.shape_cast %reduce_sum3A_110 : vector<1xf32> to vector<1x1xf32>
      %mul3A_112 = arith.constant 3.000000e-01 : f32
      %mul3A_113 = vector.broadcast %mul3A_112 : f32 to vector<1x1xf32>
      %mul3A_114 = arith.mulf %mul3A_113, %broadcast_in_dim3A_93 : vector<1x1xf32>
      %mul3A_115 = arith.constant 5.000000e-01 : f32
      %mul3A_116 = vector.broadcast %mul3A_115 : f32 to vector<1x1xf32>
      %mul3A_117 = arith.mulf %mul3A_116, %broadcast_in_dim3A_102 : vector<1x1xf32>
      %add3A_118 = arith.addf %mul3A_114, %mul3A_117 : vector<1x1xf32>
      %mul3A_119 = arith.constant 2.000000e-01 : f32
      %mul3A_120 = vector.broadcast %mul3A_119 : f32 to vector<1x1xf32>
      %mul3A_121 = arith.mulf %mul3A_120, %broadcast_in_dim3A_111 : vector<1x1xf32>
      %add3A_122 = arith.addf %add3A_118, %mul3A_121 : vector<1x1xf32>
      %div3A_123 = arith.constant 1.638400e+04 : f32
      %div3A_124 = vector.broadcast %div3A_123 : f32 to vector<1x1xf32>
      %div3A_125 = arith.divf %add3A_122, %div3A_124 : vector<1x1xf32>
      %eq3A_126 = arith.constant 3 : i32
      %eq3A_127 = vector.broadcast %eq3A_126 : i32 to vector<1x128xi32>
      %eq3A_128 = arith.cmpi eq, %iota3A_84, %eq3A_127 : vector<1x128xi32>
      %jit3A_129 = arith.constant 0.000000e+00 : f32
      %broadcast_in_dim3A_130 = vector.shape_cast %div3A_125 : vector<1x1xf32> to vector<1x1xf32>
      %broadcast_in_dim3A_131 = vector.broadcast %broadcast_in_dim3A_130 : vector<1x1xf32> to vector<1x128xf32>
      %broadcast_in_dim3A_132 = vector.broadcast %jit3A_129 : f32 to vector<1x128xf32>
      %select_n3A_133 = arith.select %eq3A_128, %broadcast_in_dim3A_131, %broadcast_in_dim3A_132 : vector<1x128xi1>, vector<1x128xf32>
      %add3A_134 = arith.addf %get3A_83, %select_n3A_133 : vector<1x128xf32>
      %swap3A_135 = arith.constant 0 : index
      %swap3A_136 = arith.constant 0 : index
      %swap3A_137 = vector.load %arg6[%swap3A_135, %swap3A_136] : memref<1x128xf32, #tpu.memory_space<vmem>>, vector<1x128xf32>
      tpu.vector_store %arg6[%swap3A_135, %swap3A_136], %add3A_134 {strides = array<i32>} : memref<1x128xf32, #tpu.memory_space<vmem>>, vector<1x128xf32>,
    } else {
    }
    return
  }
  func.func @transform_0(%arg0: i32) -> (i32, i32) {
    %c0_i32 = arith.constant 0 : i32
    %c0_i32_0 = arith.constant 0 : i32
    %c0_i32_1 = arith.constant 0 : i32
    return %c0_i32, %c0_i32_0 : i32, i32
  }
  func.func @transform_1(%arg0: i32) -> (i32, i32) {
    %c0_i32 = arith.constant 0 : i32
    %c0_i32_0 = arith.constant 0 : i32
    %c0_i32_1 = arith.constant 0 : i32
    return %c0_i32, %c0_i32_0 : i32, i32
  }
  func.func @transform_2(%arg0: i32) -> (i32, i32) {
    %c0_i32 = arith.constant 0 : i32
    %c0_i32_0 = arith.constant 0 : i32
    return %arg0, %c0_i32 : i32, i32
  }
  func.func @transform_3(%arg0: i32) -> (i32, i32) {
    %c0_i32 = arith.constant 0 : i32
    %c0_i32_0 = arith.constant 0 : i32
    return %arg0, %c0_i32 : i32, i32
  }
  func.func @transform_4(%arg0: i32) -> (i32, i32) {
    %c0_i32 = arith.constant 0 : i32
    %c0_i32_0 = arith.constant 0 : i32
    return %arg0, %c0_i32 : i32, i32
  }
  func.func @transform_5(%arg0: i32) -> (i32, i32) {
    %c0_i32 = arith.constant 0 : i32
    %c0_i32_0 = arith.constant 0 : i32
    %c0_i32_1 = arith.constant 0 : i32
    return %c0_i32, %c0_i32_0 : i32, i32
  }
}

</mosaic_0001>

<sc_bundles>
// kernel: kernel.4.cloned.1.call-start
scs
__scs_entry_jumppad:
0x0: {  	(pc) =	sbr.rel $0x88, $3  }
0x1: {  	(tag) =	ssettag $0x0;
	lr =	simm.s32 $0x1  }
0x2: {  	[smem:$0x3F9C] =	sst lr;
	_ =	strace $0xD0000000  }
0x3: {  	_ = 	snop  }
0x4: {  	_ = 	snop  }
0x5: {  	_ = 	snop  }
0x6: {  	_ = 	snop  }
0x7: {  	_ = 	snop  }
__scs_overlays_trampoline_lowered:
0x8: {  	[smem:$0x3FAB] =	sst s0  }
0x9: {  	[smem:$0x3FAC] =	sst s1  }
0xa: {  	[smem:$0x3FAD] =	sst s2  }
0xb: {  	[smem:$0x3FAE] =	sst s3  }
0xc: {  	[smem:$0x3FAF] =	sst s4  }
0xd: {  	[smem:$0x3FB0] =	sst s5  }
0xe: {  	[smem:$0x3FB1] =	sst s6  }
0xf: {  	[smem:$0x3FB2] =	sst s7  }
0x10: {  	[smem:$0x3FB3] =	sst s8  }
0x11: {  	[smem:$0x3FB4] =	sst s9;
	s0 =	simm.s32 @!p0 $0x0  }
0x12: {  	s1 =	sld [smem:$0x3F9A];
	s0 =	simm.s32 @p0 $0x1  }
0x13: {  	[smem:$0x3FB5] =	sst s0;
	s0 =	simm.s32 @!p1 $0x0  }
0x14: {  	s2 =	sld [smem:$0x3F99];
	s0 =	simm.s32 @p1 $0x1  }
0x15: {  	[smem:$0x3FB6] =	sst s0;
	s0 =	simm.s32 @!p2 $0x0  }
0x16: {  	s3 =	sld [smem:$0x3FDB];
	s0 =	simm.s32 @p2 $0x1  }
0x17: {  	s4 =	simm.s32 $0x1BF5;
	[smem:$0x3FB8] =	sst s0  }
0x18: {  	s0 =	sld [smem:$0x3F9B];
	_ =	swait.ge [sflag:s4], $0x0  }
0x19: {  	s7 =	sld [smem:$0x3F9C]  }
0x1a: {  	s8 =	sadd.s32 $0xFFFFE003, lr  }
0x1b: {  	s9 =	sadd.s32 $0xFFFFFEF7, lr;
	s5 =	simm.s32 $0xFFFFFFFF;
	p2 =	slt.u32 s8, $0xFFFFF086  }
0x1c: {  	p1 =	slt.u32 s9, $0xF7A;
	s5 =	simm.s32 @!p2 $0x0  }
0x1d: {  	s5 =	simm.s32 @p1 $0x1;
	p0 =	seq.s32 s7, s2  }
0x1e: {  	s7 =	smul.u32 @!p0 $0xF7A, s2;
	p2 =	seq.s32 @!p0 s5, $0x0  }
0x1f: {  	s9 =	smul.u32 $0xF7A, s1;
	s8 =	simm.s32 @!p0 $0x1BF5;
	p2 =	por !p2, p0  }
0x20: {  	[sflag:s8] =	ssyncset.s32 @!p0 $0xFFFFF086;
	s6 =	sadd.s32 @!p0 s3, s7;
	s7 =	simm.s32 @!p0 $0x108  }
0x21: {  	s3 =	sadd.s32 s3, s9;
	s6 =	sadd.s32 @!p0 $0x88, s6;
	s7 =	simm.s32 @p2 $0x1082  }
0x22: {  	[simem:s7], [sflag:s8] =	dma.local @!p0 [hbm:s6], $0xF7A  }
0x23: {  	s9 =	sor.u32 $0xD0000000, s2;
	s6 =	simm.s32 $0x108;
	_ =	swait.ge @!p0 [sflag:s8], $0x0  }
0x24: {  	s3 =	sadd.s32 $0x88, s3;
	s6 =	simm.s32 @!p1 $0x1082;
	[sflag:s4] =	ssyncset.s32 $0xFFFFF086  }
0x25: {  	[simem:s6], [sflag:s4] =	dma.local [hbm:s3], $0xF7A  }
0x26: {  	[smem:$0x3F9C] =	sst s1;
	(tag) =	ssettag s2;
	_ =	strace s9  }
0x27: {  	s1 =	sld [smem:$0x3FAC]  }
0x28: {  	s2 =	sld [smem:$0x3FAD]  }
0x29: {  	s4 =	sld [smem:$0x3FAF]  }
0x2a: {  	p0 =	seq.s32 s5, $0x0;
	s5 =	sld [smem:$0x3FB0]  }
0x2b: {  	s6 =	sld [smem:$0x3FB1]  }
0x2c: {  	s7 =	sld [smem:$0x3FB2]  }
0x2d: {  	s3 =	simm.s32 $0x108;
	s8 =	sld [smem:$0x3FB3]  }
0x2e: {  	s3 =	simm.s32 @!p0 $0x1082;
	s9 =	sld [smem:$0x3FB4]  }
0x2f: {  	lr =	sadd.s32 s0, s3;
	s0 =	sld [smem:$0x3FAB]  }
0x30: {  	s3 =	sld [smem:$0x3FAE]  }
0x31: {  	[smem:$0x3FB7] =	sst s10  }
0x32: {  	s10 =	sld [smem:$0x3FB5];
	_ =	sdelay $0x3  }
0x33: {  	p0 =	seq.s32 s10, $0x1;
	s10 =	sld [smem:$0x3FB7];
	_ =	sdelay $0x3  }
0x34: {  	[smem:$0x3FB7] =	sst s10  }
0x35: {  	s10 =	sld [smem:$0x3FB6];
	_ =	sdelay $0x3  }
0x36: {  	p1 =	seq.s32 s10, $0x1;
	s10 =	sld [smem:$0x3FB7];
	_ =	sdelay $0x3  }
0x37: {  	[smem:$0x3FB7] =	sst s10  }
0x38: {  	s10 =	sld [smem:$0x3FB8]  }
0x39: {  	_ = 	snop;
	(pc) =	sbr.ind lr, $3  }
0x3a: {  	_ = 	snop  }
0x3b: {  	_ = 	snop  }
0x3c: {  	p2 =	seq.s32 s10, $0x1;
	s10 =	sld [smem:$0x3FB7]  }
0x3d: {  	_ =	shalt  }
0x3e: {  	_ =	shalt  }
0x3f: {  	_ =	shalt  }
0x40: {  	_ =	shalt  }
0x41: {  	_ =	shalt  }
0x42: {  	_ =	shalt  }
0x43: {  	_ =	shalt  }
0x44: {  	_ =	shalt  }
0x45: {  	_ =	shalt  }
0x46: {  	_ =	shalt  }
0x47: {  	_ =	shalt  }
0x48: {  	_ =	shalt  }
0x49: {  	_ =	shalt  }
0x4a: {  	_ =	shalt  }
0x4b: {  	_ =	shalt  }
0x4c: {  	_ =	shalt  }
0x4d: {  	_ =	shalt  }
0x4e: {  	_ =	shalt  }
0x4f: {  	_ =	shalt  }
0x50: {  	_ =	shalt  }
0x51: {  	_ =	shalt  }
0x52: {  	_ =	shalt  }
0x53: {  	_ =	shalt  }
0x54: {  	_ =	shalt  }
0x55: {  	_ =	shalt  }
0x56: {  	_ =	shalt  }
0x57: {  	_ =	shalt  }
0x58: {  	_ =	shalt  }
0x59: {  	_ =	shalt  }
0x5a: {  	_ =	shalt  }
0x5b: {  	_ =	shalt  }
0x5c: {  	_ =	shalt  }
0x5d: {  	_ =	shalt  }
0x5e: {  	_ =	shalt  }
0x5f: {  	_ =	shalt  }
0x60: {  	_ =	shalt  }
0x61: {  	_ =	shalt  }
0x62: {  	_ =	shalt  }
0x63: {  	_ =	shalt  }
0x64: {  	_ =	shalt  }
0x65: {  	_ =	shalt  }
0x66: {  	_ =	shalt  }
0x67: {  	_ =	shalt  }
0x68: {  	_ =	shalt  }
0x69: {  	_ =	shalt  }
0x6a: {  	_ =	shalt  }
0x6b: {  	_ =	shalt  }
0x6c: {  	_ =	shalt  }
0x6d: {  	_ =	shalt  }
0x6e: {  	_ =	shalt  }
0x6f: {  	_ =	shalt  }
0x70: {  	_ =	shalt  }
0x71: {  	_ =	shalt  }
0x72: {  	_ =	shalt  }
0x73: {  	_ =	shalt  }
0x74: {  	_ =	shalt  }
0x75: {  	_ =	shalt  }
0x76: {  	_ =	shalt  }
0x77: {  	_ =	shalt  }
0x78: {  	_ =	shalt  }
0x79: {  	_ =	shalt  }
0x7a: {  	_ =	shalt  }
0x7b: {  	_ =	shalt  }
0x7c: {  	_ =	shalt  }
0x7d: {  	_ =	shalt  }
0x7e: {  	_ =	shalt  }
0x7f: {  	_ =	shalt  }
0x80: {  	_ =	shalt  }
0x81: {  	_ =	shalt  }
0x82: {  	_ =	shalt  }
0x83: {  	_ =	shalt  }
0x84: {  	_ =	shalt  }
0x85: {  	_ =	shalt  }
0x86: {  	_ =	shalt  }
0x87: {  	_ =	shalt  }
.Lfunc_end0:
.L_simem_size_0:
called_computation_lowered:
.L_overlay_start_0:
0x88: {  	s2 =	sld [smem:$0x3FD9]  }
0x89: {  	s3 =	sld [smem:$0x3FFE];
	_ =	sdelay $0x1  }
0x8a: {  	s1 =	srdreg.scid  }
0x8b: {  	s0 =	sand.u32 $0x1, s1  }
0x8c: {  	s17 =	sshll.u32 s0, $0xA;
	s2 =	sadd.s32 s3, s2  }
0x8d: {  	s2 =	sadd.s32 s2, s17  }
0x8e: {  	[smem:$0x3FC3] =	sst s2  }
0x8f: {  	_ = 	snop  }
0x90: {  	s2 =	sld [smem:$0x3FC6];
	(tm) =	ssettm $0x1  }
0x91: {  	s18 =	sld [smem:$0x3FFB];
	_ =	sdelay $0x3  }
0x92: {  	_ =	strace s18  }
0x93: {  	s3 =	sld [smem:$0x3FFC];
	_ =	sdelay $0x3  }
0x94: {  	_ =	strace s3  }
0x95: {  	s3 =	sld [smem:$0x3FFD];
	_ =	sdelay $0x3  }
0x96: {  	_ =	strace s3  }
0x97: {  	_ =	strace $0x8FFFFFFF  }
0x98: {  	s19 =	sld [smem:$0x3FDB];
	_ =	sdelay $0x1  }
0x99: {  	s4 =	simm.s32 $_scs_section_size  }
0x9a: {  	s5 =	simm.s32 $_size__tile_overlayer_lowered;
	s6 =	simm.s32 $_tile_overlayer_lowered  }
0x9b: {  	s22 =	simm.s32 $0x1BFF;
	s21 =	sshll.u32 s6, $0x1;
	s3 =	sadd.s32 s4, s19  }
0x9c: {  	s7 =	simm.s32 $0x0;
	s20 =	sshll.u32 s5, $0x1;
	s5 =	sadd.s32 s21, s3  }
0x9d: {  	[timem:s7], [sflag:s22] =	dma.local [hbm:s5], s20  }
0x9e: {  	_ =	swait.ge [sflag:s22], s20  }
0x9f: {  	s4 =	ssub.s32 $0x0, s20;
	[sflag:s22] =	ssyncset.done $0x0  }
0xa0: {  	[sflag:s22] =	ssyncadd.s32 s4;
	_ =	sdelay $0x1  }
0xa1: {  	s23 =	simm.s32 $0x1B8B  }
0xa2: {  	_ =	swait.ge [sflag:s23], $0x1  }
0xa3: {  	[sflag:s23] =	ssyncset.done $0x0  }
0xa4: {  	s25 =	simm.s32 $0x1B8E;
	s24 =	sld [smem:$0x3FFE];
	[sflag:s23] =	ssyncadd.s32 $0xFFFFFFFF  }
0xa5: {  	s26 =	simm.s32 $execute0_lowered;
	[smem:$0x3FD2] =	sst s25  }
0xa6: {  	s5 =	sshll.u32 s26, $0x1;
	_ =	strace $0x80000046;
	[dreg:$0x1] =	wrdreg $0xFFFFFFFF  }
0xa7: {  	s28 =	simm.s32 $_size_execute0_lowered;
	s3 =	sadd.s32 s3, s5;
	[dreg:$0x0] =	wrdreg $0x0  }
0xa8: {  	s5 =	sshll.u32 s28, $0x1;
	[dreg:$0x2] =	wrdreg s3  }
0xa9: {  	[dreg:$0x3] =	wrdreg s5  }
0xaa: {  	[dreg:$0x4] =	wrdreg $0xC0  }
0xab: {  	_ =	task [dreg:s7], $0x5FFFF  }
0xac: {  	[dreg:$0x1] =	wrdreg $0xFFFFFFFF  }
0xad: {  	[dreg:$0x0] =	wrdreg $0x60  }
0xae: {  	[dreg:$0x2] =	wrdreg s2  }
0xaf: {  	[dreg:$0x3] =	wrdreg s24  }
0xb0: {  	[dreg:$0x4] =	wrdreg $0x9  }
0xb1: {  	_ =	task.clear_ibuf [dreg:s7], $0x5FFFF;
	_ =	strace $0x90000046  }
0xb2: {  	s29 =	simm.s32 $0x9;
	_ =	strace $0x80000048  }
0xb3: {  	_ =	swait.ge [sflag:s29], $0x1  }
0xb4: {  	[sflag:s29] =	ssyncadd.s32 $0xFFFFFFFF  }
0xb5: {  	_ =	strace $0x90000048  }
0xb6: {  	_ =	sfence  }
0xb7: {  	s30 =	sld [smem:$0x0];
	_ =	sdelay $0x2  }
0xb8: {  	s31 =	sshll.u32 s1, $0xD;
	s1 =	sshrl.u32 s1, $0x2  }
0xb9: {  	s3 =	sand.u32 $0x4000, s31;
	s1 =	sadd.s32 s1, s30  }
0xba: {  	s0 =	sor.u32 s3, s0;
	s1 =	sshll.u32 s1, $0x11  }
0xbb: {  	s0 =	sor.u32 s1, s0  }
0xbc: {  	s0 =	sadd.s32 $0x8F2B, s0  }
0xbd: {  	[sflag:s0] =	ssyncadd.remote.s32 $0x1  }
0xbe: {  	_ =	sfence.sel $0xFFFF  }
0xbf: {  	[dreg:$0x0] =	wrdreg $0xFFFFFFFF;
	(pc) =	sbr.abs _section_cstart, $3  }
0xc0: {  	[dreg:$0x1] =	wrdreg $0xFFFFFFFF  }
0xc1: {  	_ =	task.clear_ibuf [dreg:s7], $0x2FFFF;
	_ =	strace $0x9FFFFFFF  }
0xc2: {  	(tm) =	ssettm $0x7FFFFFFF  }
0xc3: {  	_ =	shalt  }
tec
execute0_lowered:
.L_overlay_start_1:
0x0: {  	(tag) =	ssettag $0x1  }
0x1: {  	s0 =	srdreg.scid  }
0x2: {  	s4 =	sand.u32 $0x1, s0;
	s0 =	stileid.u32  }
0x3: {  	s5 =	sshll.u32 s0, $0x1;
	s6 =	ssub.s32 $0x0, s4  }
0x4: {  	p0 =	sne.s32 s5, s6  }
.Ltmp0:
0x5: {  	_ = 	snop;
	(pc) =	sbr.rel @p0 .LBB2_7-.Ltmp0, $4  }
0x6: {  	_ = 	snop  }
0x7: {  	s2 =	rddreg [dreg:$0x0]  }
0x8: {  	s3 =	rddreg [dreg:$0x1]  }
0x9: {  	s1 =	rddreg [dreg:$0x2];
	_ =	strace $0x80000047  }
0xa: {  	s4 =	ssub.s32 $0x2, s4  }
0xb: {  	s3 =	sadd.s32 $0x800, s3;
	s5 =	sshrl.u32 s4, $0x1  }
0xc: {  	v1 =	vlaneseq.u32;
	s6 =	simm.s32 $0xC800;
	s7 =	simm.s32 $0x1;
	s4 =	ssub.s32 s4, s5  }
0xd: {  	v0 =	vimm.f32 $0.0e+00;
	v2 =	vimm.f32 $1.000000000e+00;
	s8 =	simm.s32 $0x0;
	v1 =	vmul.u32 $0x20, v1;
	s5 =	simm.s32 $0x0;
	s4 =	smax.u32 s4, $0x1  }
.LBB2_2:
0xe: {  	[tilespmem:s6], [sflag:$0x1] =	stream.linear.gather [hbm4b:s2+s5], $0x680, $0x38;
	[tilespmem:$0xCE80] =	vst v63  }
0xf: {  	_ =	swait.ge [sflag:s7], $0x680  }
0x10: {  	[sflag:s7] =	ssyncset.done $0x0  }
0x11: {  	s9 =	simm.s32 $0x0;
	s10 =	simm.s32 $0x400;
	[sflag:s7] =	ssyncadd.s32 $0xFFFFF980  }
.LBB2_3:
0x12: {  	p0 =	sne.s32 s10, $0x31C00;
	[tilespmem:s9+$0xF0] =	vst v0  }
0x13: {  	[tilespmem:s9+$0x0] =	vst v0  }
0x14: {  	[tilespmem:s9+$0x10] =	vst v0  }
0x15: {  	[tilespmem:s9+$0x20] =	vst v0  }
0x16: {  	[tilespmem:s9+$0x30] =	vst v0  }
0x17: {  	[tilespmem:s9+$0x40] =	vst v0  }
0x18: {  	[tilespmem:s9+$0x50] =	vst v0  }
0x19: {  	[tilespmem:s9+$0x60] =	vst v0  }
0x1a: {  	[tilespmem:s9+$0x70] =	vst v0  }
0x1b: {  	[tilespmem:s9+$0x80] =	vst v0  }
0x1c: {  	[tilespmem:s9+$0x90] =	vst v0  }
.Ltmp1:
0x1d: {  	[tilespmem:s9+$0xA0] =	vst v0;
	(pc) =	sbr.rel @p0 .LBB2_3-.Ltmp1, $4  }
0x1e: {  	[tilespmem:s9+$0xB0] =	vst v0  }
0x1f: {  	[tilespmem:s9+$0xC0] =	vst v0  }
0x20: {  	[tilespmem:s9+$0xD0] =	vst v0  }
0x21: {  	[tilespmem:s9+$0xE0] =	vst v0;
	s9 =	sshra.s32 s10, $0x2;
	s10 =	sadd.s32 $0x400, s10  }
0x22: {  	[tilespmem:s9+$0xF0] =	vst v0  }
0x23: {  	[tilespmem:s9+$0x0] =	vst v0  }
0x24: {  	[tilespmem:s9+$0x10] =	vst v0  }
0x25: {  	[tilespmem:s9+$0x20] =	vst v0  }
0x26: {  	[tilespmem:s9+$0x30] =	vst v0  }
0x27: {  	[tilespmem:s9+$0x40] =	vst v0  }
0x28: {  	[tilespmem:s9+$0x50] =	vst v0  }
0x29: {  	[tilespmem:s9+$0x60] =	vst v0  }
0x2a: {  	[tilespmem:s9+$0x70] =	vst v0  }
0x2b: {  	[tilespmem:s9+$0x80] =	vst v0  }
0x2c: {  	[tilespmem:s9+$0x90] =	vst v0  }
0x2d: {  	[tilespmem:s9+$0xA0] =	vst v0  }
0x2e: {  	[tilespmem:s9+$0xB0] =	vst v0  }
0x2f: {  	[tilespmem:s9+$0xC0] =	vst v0  }
0x30: {  	[tilespmem:s9+$0xD0] =	vst v0  }
0x31: {  	[tilespmem:s9+$0xE0] =	vst v0;
	s9 =	simm.s32 $0xC800  }
0x32: {  	s10 =	simm.s32 $0x0;
	s11 =	simm.s32 $0x200;
	v3 =	vld [tilespmem:s9+$0x0]  }
.LBB2_5:
0x33: {  	p0 =	sne.s32 s11, $0xC600;
	_ =	sdelay $0x3  }
0x34: {  	v3 =	vadd.s32 s10, v3;
	s10 =	smov.u32 s11  }
0x35: {  	v3 =	vadd.s32 v1, v3;
	_ =	sdelay $0x1  }
.Ltmp2:
0x36: {  	(pc) =	sbr.rel @p0 .LBB2_5-.Ltmp2, $3  }
0x37: {  	_ =	sdelay $0x1  }
0x38: {  	s9 =	sadd.s32 $0x10, s9;
	[tilespmem:v3+s5+$0x0] =	vst.idx.msk $0xffff, v2  }
0x39: {  	s11 =	sadd.s32 $0x200, s11;
	v3 =	vld [tilespmem:s9+$0x0]  }
0x3a: {  	_ =	sdelay $0x3  }
0x3b: {  	v3 =	vadd.s32 s10, v3  }
0x3c: {  	v3 =	vadd.s32 v1, v3;
	_ =	sdelay $0x2  }
0x3d: {  	s8 =	sadd.s32 $0x1, s8  }
0x3e: {  	p0 =	sne.s32 s8, s4  }
.Ltmp3:
0x3f: {  	[tilespmem:v3+s5+$0x0] =	vst.idx.msk $0xffff, v2;
	(pc) =	sbr.rel @p0 .LBB2_2-.Ltmp3, $4  }
0x40: {  	[hbm4b:s3+s5] =	stream.linear.scatter [tilespmem:s5], [sflag:$0x1], $0xC800, $0x38;
	[tilespmem:$0xCE80] =	vst v63  }
0x41: {  	_ =	swait.ge [sflag:s7], $0xC800  }
0x42: {  	[sflag:s7] =	ssyncset.done $0x0  }
0x43: {  	[sflag:s7] =	ssyncadd.s32 $0xFFFF3800  }
.LBB2_7:
0x44: {  	_ =	sfence.sel $0x180000  }
0x45: {  	[bflag:$0x0] =	sbarrier.arrive $0xFFFF  }
0x46: {  	p0 =	sne.s32 s0, $0x0;
	_ =	strace $0x90000047  }
0x47: {  	s0 =	sadd.s32 @!p0 $0x100000, s1;
	[bflag:$0x2] =	sbarrier.arrive $0xFFFF  }
0x48: {  	[sflag:s0] =	ssyncadd.tile.s32 @!p0 $0x1;
	_ =	shalt  }
.Lfunc_end2:
_tile_overlayer_lowered:
.L_overlay_start_2:
0x49: {  	(tag) =	ssettag $0x2  }
0x4a: {  	s0 =	rddreg [dreg:$0x0];
	s2 =	stileid.u32  }
0x4b: {  	s1 =	rddreg [dreg:$0x1];
	p0 =	sne.s32 s2, $0x0  }
0x4c: {  	s3 =	rddreg [dreg:$0x2];
	[bflag:$0x3] =	sbarrier.arrive $0xFFFF;
	s2 =	simm.s32 @!p0 $0x1C01  }
0x4d: {  	[timem:s3], [sflag:s2] =	dma.local @!p0 [hbm:s0], s1  }
0x4e: {  	s0 =	simm.s32 @!p0 $0x1  }
0x4f: {  	_ =	swait.ge @!p0 [sflag:s0], s1  }
0x50: {  	s1 =	ssub.s32 @!p0 $0x0, s1;
	[sflag:s0] =	ssyncset.done @!p0 $0x0  }
0x51: {  	[sflag:s0] =	ssyncadd.s32 @!p0 s1  }
0x52: {  	[bflag:$0x3] =	sbarrier.arrive $0xFFFF  }
0x53: {  	_ =	shalt  }

</sc_bundles>
